<compile_context>
chip_gen: v7x
topology: tpu7x:2x2x1
jax: 0.10.2.dev20260603
libtpu: 0.0.44.dev20260713+nightly
codegen_flags: <defaults>
</compile_context>

<pallas_src>
import functools

import jax
import jax.numpy as jnp
from jax import lax
from jax.experimental import pallas as pl
from jax.experimental.pallas import tpu as pltpu
from jax.experimental.pallas import tpu_sc as plsc

_B = 512
_V = 1024
_D = 768
_NC = 2
_NS = 16
_NW = _NC * _NS
_BPW = _B // _NW


@functools.cache
def _gather_fn():
    mesh = plsc.VectorSubcoreMesh(core_axis_name="c", subcore_axis_name="s")

    @functools.partial(
        pl.kernel,
        mesh=mesh,
        out_type=jax.ShapeDtypeStruct((_B, _D), jnp.float32),
        scratch_types=[
            pltpu.VMEM((_BPW,), jnp.int32),
            pltpu.VMEM((_BPW, _D), jnp.float32),
            pltpu.SemaphoreType.DMA,
            pltpu.SemaphoreType.DMA,
            pltpu.SemaphoreType.DMA,
        ],
    )
    def k(idx_hbm, table_hbm, out_hbm, idx_v, rows_v, sem0, sem1, sem2):
        wid = lax.axis_index("s") * _NC + lax.axis_index("c")
        base = wid * _BPW
        half = _BPW // 2
        pltpu.sync_copy(idx_hbm.at[pl.ds(base, _BPW)], idx_v)
        g0 = pltpu.async_copy(
            table_hbm.at[idx_v.at[pl.ds(0, half)]], rows_v.at[pl.ds(0, half)], sem0)
        g1 = pltpu.async_copy(
            table_hbm.at[idx_v.at[pl.ds(half, half)]], rows_v.at[pl.ds(half, half)], sem1)
        g0.wait()
        w0 = pltpu.async_copy(
            rows_v.at[pl.ds(0, half)], out_hbm.at[pl.ds(base, half)], sem2)
        g1.wait()
        pltpu.sync_copy(rows_v.at[pl.ds(half, half)], out_hbm.at[pl.ds(base + half, half)])
        w0.wait()

    return k


def kernel(indices, pos_embedding):
    table = pos_embedding.reshape(_V, _D)
    out = _gather_fn()(indices.astype(jnp.int32), table)
    return out.reshape(1, _B, _D)

# --- scband reference (transcript-rebuilt; emitter-appended) ---
"""Pipeline reference for scband-positional-embedding-77773267796562 (READ-ONLY COPY).

The authoritative reference and input builder live on the scoring server;
editing this copy changes nothing except your own understanding.
"""

import jax, jax.numpy as jnp
import numpy as np

NUM_PATCHES = 1024
EMBED_DIM = 768

def setup_inputs(seed: int = 0) -> dict:
    key = jax.random.key(seed)
    k_idx, k_pos = jax.random.split(key)
    indices = jax.random.randint(k_idx, (512,), 0, NUM_PATCHES, dtype=jnp.int64 if jax.config.jax_enable_x64 else jnp.int32)
    # learned positional embedding parameter, trunc_normal(std=0.02) approximated by clipped normal
    pos = jax.random.normal(k_pos, (1, NUM_PATCHES, EMBED_DIM), dtype=jnp.float32) * 0.02
    pos = jnp.clip(pos, -0.04, 0.04)
    return {"indices": indices, "pos_embedding": pos}

def reference(indices, pos_embedding):
    # forward: pos_embedding[:, indices, :]
    return jnp.take(pos_embedding, indices, axis=1)

if __name__ == "__main__":
    import jax
    _d = setup_inputs()
    print(jax.jit(kernel)(*tuple(_d.values())))

</pallas_src>

<mosaic_0001>
#map = affine_map<(d0, d1) -> (0)>
#map1 = affine_map<(d0, d1) -> (0, 0)>
module attributes {stable_mosaic.version = 14 : i64} {
  func.func @k(%arg0: i32, %arg1: i32, %arg2: memref<512xi32, #tpu.memory_space<hbm>>, %arg3: memref<1024x768xf32, #tpu.memory_space<hbm>>, %arg4: memref<512x768xf32, #tpu.memory_space<hbm>>, %arg5: memref<16xi32, #tpu.memory_space<vmem>>, %arg6: memref<16x768xf32, #tpu.memory_space<vmem>>, %arg7: memref<!tpu.dma_semaphore, #tpu.memory_space<semaphore_mem>>, %arg8: memref<!tpu.dma_semaphore, #tpu.memory_space<semaphore_mem>>, %arg9: memref<!tpu.dma_semaphore, #tpu.memory_space<semaphore_mem>>) attributes {dimension_semantics = [#tpu.dimension_semantics<core_parallel>, #tpu.dimension_semantics<subcore_parallel>], iteration_bounds = array<i64: 2, 16>, scalar_prefetch = 0 : i64, scratch_operands = 5 : i64, tpu.core_type = #tpu.core_type<sc_vector_subcore>, window_params = [{transform_indices = #map}, {transform_indices = #map1}, {transform_indices = #map1}]} {
    %mul3A = arith.constant 2 : i32
    %mul3A_0 = arith.muli %arg1, %mul3A : i32
    %add3A = arith.addi %mul3A_0, %arg0 : i32
    %mul3A_1 = arith.constant 16 : i32
    %mul3A_2 = arith.muli %add3A, %mul3A_1 : i32
    "tpu.region"() ({
      %run_scoped3A = tpu.sem_alloc : memref<!tpu.dma_semaphore, #tpu.memory_space<semaphore_mem>>
      %dma_start3A_55 = tpu.memref_slice %arg2[%mul3A_2] : memref<512xi32, #tpu.memory_space<hbm>> -> memref<16xi32, #tpu.memory_space<hbm>>
      %dma_start3A_56 = tpu.memref_slice %arg2[%mul3A_2] : memref<512xi32, #tpu.memory_space<hbm>> -> memref<16xi32, #tpu.memory_space<hbm>>
      tpu.enqueue_dma source(%dma_start3A_56 : memref<16xi32, #tpu.memory_space<hbm>>) target(%arg5 : memref<16xi32, #tpu.memory_space<vmem>>) target_semaphore(%run_scoped3A : memref<!tpu.dma_semaphore, #tpu.memory_space<semaphore_mem>>)
      %dma_wait3A_57 = tpu.memref_slice %arg2[%mul3A_2] : memref<512xi32, #tpu.memory_space<hbm>> -> memref<16xi32, #tpu.memory_space<hbm>>
      %dma_wait3A_58 = tpu.memref_slice %arg2[%mul3A_2] : memref<512xi32, #tpu.memory_space<hbm>> -> memref<16xi32, #tpu.memory_space<hbm>>
      tpu.wait_dma2 semaphore(%run_scoped3A : memref<!tpu.dma_semaphore, #tpu.memory_space<semaphore_mem>>) src(%dma_wait3A_58 : memref<16xi32, #tpu.memory_space<hbm>>) dst(%arg5 : memref<16xi32, #tpu.memory_space<vmem>>)
      tpu.yield
    }) : () -> ()
    %dma_start3A = arith.constant 0 : i32
    %dma_start3A_3 = arith.constant 0 : i32
    %dma_start3A_4 = tpu.memref_slice %arg6[%dma_start3A, %dma_start3A_3] : memref<16x768xf32, #tpu.memory_space<vmem>> -> memref<8x768xf32, #tpu.memory_space<vmem>>
    %dma_start3A_5 = arith.constant 0 : i32
    %dma_start3A_6 = tpu.memref_slice %arg5[%dma_start3A_5] : memref<16xi32, #tpu.memory_space<vmem>> -> memref<8xi32, #tpu.memory_space<vmem>>
    %dma_start3A_7 = arith.constant 0 : i32
    %dma_start3A_8 = arith.constant 0 : i32
    %dma_start3A_9 = tpu.memref_slice %arg3[%dma_start3A_7, %dma_start3A_8] : memref<1024x768xf32, #tpu.memory_space<hbm>> -> memref<1024x768xf32, #tpu.memory_space<hbm>>
    tpu.enqueue_indirect_dma source(%dma_start3A_9 : memref<1024x768xf32, #tpu.memory_space<hbm>>) target(%dma_start3A_4 : memref<8x768xf32, #tpu.memory_space<vmem>>) offsets(%dma_start3A_6 : memref<8xi32, #tpu.memory_space<vmem>>) semaphore(%arg7 : memref<!tpu.dma_semaphore, #tpu.memory_space<semaphore_mem>>)
    %dma_start3A_10 = arith.constant 8 : i32
    %dma_start3A_11 = arith.constant 0 : i32
    %dma_start3A_12 = tpu.memref_slice %arg6[%dma_start3A_10, %dma_start3A_11] : memref<16x768xf32, #tpu.memory_space<vmem>> -> memref<8x768xf32, #tpu.memory_space<vmem>>
    %dma_start3A_13 = arith.constant 8 : i32
    %dma_start3A_14 = tpu.memref_slice %arg5[%dma_start3A_13] : memref<16xi32, #tpu.memory_space<vmem>> -> memref<8xi32, #tpu.memory_space<vmem>>
    %dma_start3A_15 = arith.constant 0 : i32
    %dma_start3A_16 = arith.constant 0 : i32
    %dma_start3A_17 = tpu.memref_slice %arg3[%dma_start3A_15, %dma_start3A_16] : memref<1024x768xf32, #tpu.memory_space<hbm>> -> memref<1024x768xf32, #tpu.memory_space<hbm>>
    tpu.enqueue_indirect_dma source(%dma_start3A_17 : memref<1024x768xf32, #tpu.memory_space<hbm>>) target(%dma_start3A_12 : memref<8x768xf32, #tpu.memory_space<vmem>>) offsets(%dma_start3A_14 : memref<8xi32, #tpu.memory_space<vmem>>) semaphore(%arg8 : memref<!tpu.dma_semaphore, #tpu.memory_space<semaphore_mem>>)
    %dma_wait3A = arith.constant 0 : i32
    %dma_wait3A_18 = arith.constant 0 : i32
    %dma_wait3A_19 = tpu.memref_slice %arg6[%dma_wait3A, %dma_wait3A_18] : memref<16x768xf32, #tpu.memory_space<vmem>> -> memref<8x768xf32, #tpu.memory_space<vmem>>
    %dma_wait3A_20 = arith.constant 0 : i32
    %dma_wait3A_21 = tpu.memref_slice %arg5[%dma_wait3A_20] : memref<16xi32, #tpu.memory_space<vmem>> -> memref<8xi32, #tpu.memory_space<vmem>>
    %dma_wait3A_22 = arith.constant 0 : i32
    %dma_wait3A_23 = arith.constant 0 : i32
    %dma_wait3A_24 = tpu.memref_slice %arg3[%dma_wait3A_22, %dma_wait3A_23] : memref<1024x768xf32, #tpu.memory_space<hbm>> -> memref<1024x768xf32, #tpu.memory_space<hbm>>
    tpu.wait_indirect_dma semaphore(%arg7 : memref<!tpu.dma_semaphore, #tpu.memory_space<semaphore_mem>>) src(%dma_wait3A_24 : memref<1024x768xf32, #tpu.memory_space<hbm>>) dst(%dma_wait3A_19 : memref<8x768xf32, #tpu.memory_space<vmem>>)
    %dma_start3A_25 = arith.constant 0 : i32
    %dma_start3A_26 = arith.constant 0 : i32
    %dma_start3A_27 = tpu.memref_slice %arg6[%dma_start3A_25, %dma_start3A_26] : memref<16x768xf32, #tpu.memory_space<vmem>> -> memref<8x768xf32, #tpu.memory_space<vmem>>
    %dma_start3A_28 = arith.constant 0 : i32
    %dma_start3A_29 = tpu.memref_slice %arg4[%mul3A_2, %dma_start3A_28] : memref<512x768xf32, #tpu.memory_space<hbm>> -> memref<8x768xf32, #tpu.memory_space<hbm>>
    %dma_start3A_30 = arith.constant 0 : i32
    %dma_start3A_31 = tpu.memref_slice %arg4[%mul3A_2, %dma_start3A_30] : memref<512x768xf32, #tpu.memory_space<hbm>> -> memref<8x768xf32, #tpu.memory_space<hbm>>
    %dma_start3A_32 = arith.constant 0 : i32
    %dma_start3A_33 = arith.constant 0 : i32
    %dma_start3A_34 = tpu.memref_slice %arg6[%dma_start3A_32, %dma_start3A_33] : memref<16x768xf32, #tpu.memory_space<vmem>> -> memref<8x768xf32, #tpu.memory_space<vmem>>
    tpu.enqueue_dma source(%dma_start3A_34 : memref<8x768xf32, #tpu.memory_space<vmem>>) target(%dma_start3A_31 : memref<8x768xf32, #tpu.memory_space<hbm>>) target_semaphore(%arg9 : memref<!tpu.dma_semaphore, #tpu.memory_space<semaphore_mem>>)
    %dma_wait3A_35 = arith.constant 8 : i32
    %dma_wait3A_36 = arith.constant 0 : i32
    %dma_wait3A_37 = tpu.memref_slice %arg6[%dma_wait3A_35, %dma_wait3A_36] : memref<16x768xf32, #tpu.memory_space<vmem>> -> memref<8x768xf32, #tpu.memory_space<vmem>>
    %dma_wait3A_38 = arith.constant 8 : i32
    %dma_wait3A_39 = tpu.memref_slice %arg5[%dma_wait3A_38] : memref<16xi32, #tpu.memory_space<vmem>> -> memref<8xi32, #tpu.memory_space<vmem>>
    %dma_wait3A_40 = arith.constant 0 : i32
    %dma_wait3A_41 = arith.constant 0 : i32
    %dma_wait3A_42 = tpu.memref_slice %arg3[%dma_wait3A_40, %dma_wait3A_41] : memref<1024x768xf32, #tpu.memory_space<hbm>> -> memref<1024x768xf32, #tpu.memory_space<hbm>>
    tpu.wait_indirect_dma semaphore(%arg8 : memref<!tpu.dma_semaphore, #tpu.memory_space<semaphore_mem>>) src(%dma_wait3A_42 : memref<1024x768xf32, #tpu.memory_space<hbm>>) dst(%dma_wait3A_37 : memref<8x768xf32, #tpu.memory_space<vmem>>)
    %add3A_43 = arith.constant 8 : i32
    %add3A_44 = arith.addi %mul3A_2, %add3A_43 : i32
    "tpu.region"() ({
      %run_scoped3A = tpu.sem_alloc : memref<!tpu.dma_semaphore, #tpu.memory_space<semaphore_mem>>
      %dma_start3A_55 = arith.constant 8 : i32
      %dma_start3A_56 = arith.constant 0 : i32
      %dma_start3A_57 = tpu.memref_slice %arg6[%dma_start3A_55, %dma_start3A_56] : memref<16x768xf32, #tpu.memory_space<vmem>> -> memref<8x768xf32, #tpu.memory_space<vmem>>
      %dma_start3A_58 = arith.constant 0 : i32
      %dma_start3A_59 = tpu.memref_slice %arg4[%add3A_44, %dma_start3A_58] : memref<512x768xf32, #tpu.memory_space<hbm>> -> memref<8x768xf32, #tpu.memory_space<hbm>>
      %dma_start3A_60 = arith.constant 0 : i32
      %dma_start3A_61 = tpu.memref_slice %arg4[%add3A_44, %dma_start3A_60] : memref<512x768xf32, #tpu.memory_space<hbm>> -> memref<8x768xf32, #tpu.memory_space<hbm>>
      %dma_start3A_62 = arith.constant 8 : i32
      %dma_start3A_63 = arith.constant 0 : i32
      %dma_start3A_64 = tpu.memref_slice %arg6[%dma_start3A_62, %dma_start3A_63] : memref<16x768xf32, #tpu.memory_space<vmem>> -> memref<8x768xf32, #tpu.memory_space<vmem>>
      tpu.enqueue_dma source(%dma_start3A_64 : memref<8x768xf32, #tpu.memory_space<vmem>>) target(%dma_start3A_61 : memref<8x768xf32, #tpu.memory_space<hbm>>) target_semaphore(%run_scoped3A : memref<!tpu.dma_semaphore, #tpu.memory_space<semaphore_mem>>)
      %dma_wait3A_65 = arith.constant 8 : i32
      %dma_wait3A_66 = arith.constant 0 : i32
      %dma_wait3A_67 = tpu.memref_slice %arg6[%dma_wait3A_65, %dma_wait3A_66] : memref<16x768xf32, #tpu.memory_space<vmem>> -> memref<8x768xf32, #tpu.memory_space<vmem>>
      %dma_wait3A_68 = arith.constant 0 : i32
      %dma_wait3A_69 = tpu.memref_slice %arg4[%add3A_44, %dma_wait3A_68] : memref<512x768xf32, #tpu.memory_space<hbm>> -> memref<8x768xf32, #tpu.memory_space<hbm>>
      %dma_wait3A_70 = arith.constant 0 : i32
      %dma_wait3A_71 = tpu.memref_slice %arg4[%add3A_44, %dma_wait3A_70] : memref<512x768xf32, #tpu.memory_space<hbm>> -> memref<8x768xf32, #tpu.memory_space<hbm>>
      %dma_wait3A_72 = arith.constant 8 : i32
      %dma_wait3A_73 = arith.constant 0 : i32
      %dma_wait3A_74 = tpu.memref_slice %arg6[%dma_wait3A_72, %dma_wait3A_73] : memref<16x768xf32, #tpu.memory_space<vmem>> -> memref<8x768xf32, #tpu.memory_space<vmem>>
      tpu.wait_dma2 semaphore(%run_scoped3A : memref<!tpu.dma_semaphore, #tpu.memory_space<semaphore_mem>>) src(%dma_wait3A_74 : memref<8x768xf32, #tpu.memory_space<vmem>>) dst(%dma_wait3A_71 : memref<8x768xf32, #tpu.memory_space<hbm>>)
      tpu.yield
    }) : () -> ()
    %dma_wait3A_45 = arith.constant 0 : i32
    %dma_wait3A_46 = arith.constant 0 : i32
    %dma_wait3A_47 = tpu.memref_slice %arg6[%dma_wait3A_45, %dma_wait3A_46] : memref<16x768xf32, #tpu.memory_space<vmem>> -> memref<8x768xf32, #tpu.memory_space<vmem>>
    %dma_wait3A_48 = arith.constant 0 : i32
    %dma_wait3A_49 = tpu.memref_slice %arg4[%mul3A_2, %dma_wait3A_48] : memref<512x768xf32, #tpu.memory_space<hbm>> -> memref<8x768xf32, #tpu.memory_space<hbm>>
    %dma_wait3A_50 = arith.constant 0 : i32
    %dma_wait3A_51 = tpu.memref_slice %arg4[%mul3A_2, %dma_wait3A_50] : memref<512x768xf32, #tpu.memory_space<hbm>> -> memref<8x768xf32, #tpu.memory_space<hbm>>
    %dma_wait3A_52 = arith.constant 0 : i32
    %dma_wait3A_53 = arith.constant 0 : i32
    %dma_wait3A_54 = tpu.memref_slice %arg6[%dma_wait3A_52, %dma_wait3A_53] : memref<16x768xf32, #tpu.memory_space<vmem>> -> memref<8x768xf32, #tpu.memory_space<vmem>>
    tpu.wait_dma2 semaphore(%arg9 : memref<!tpu.dma_semaphore, #tpu.memory_space<semaphore_mem>>) src(%dma_wait3A_54 : memref<8x768xf32, #tpu.memory_space<vmem>>) dst(%dma_wait3A_51 : memref<8x768xf32, #tpu.memory_space<hbm>>)
    return
  }
}

</mosaic_0001>

<sc_bundles>
// kernel: kernel.3.cloned.1.call-start
scs
__scs_entry_jumppad:
0x0: {  	(pc) =	sbr.rel $0x88, $3  }
0x1: {  	(tag) =	ssettag $0x0;
	lr =	simm.s32 $0x1  }
0x2: {  	[smem:$0x3F9F] =	sst lr;
	_ =	strace $0xD0000000  }
0x3: {  	_ = 	snop  }
0x4: {  	_ = 	snop  }
0x5: {  	_ = 	snop  }
0x6: {  	_ = 	snop  }
0x7: {  	_ = 	snop  }
__scs_overlays_trampoline_lowered:
0x8: {  	[smem:$0x3FAE] =	sst s0  }
0x9: {  	[smem:$0x3FAF] =	sst s1  }
0xa: {  	[smem:$0x3FB0] =	sst s2  }
0xb: {  	[smem:$0x3FB1] =	sst s3  }
0xc: {  	[smem:$0x3FB2] =	sst s4  }
0xd: {  	[smem:$0x3FB3] =	sst s5  }
0xe: {  	[smem:$0x3FB4] =	sst s6  }
0xf: {  	[smem:$0x3FB5] =	sst s7  }
0x10: {  	[smem:$0x3FB6] =	sst s8  }
0x11: {  	[smem:$0x3FB7] =	sst s9;
	s0 =	simm.s32 @!p0 $0x0  }
0x12: {  	s1 =	sld [smem:$0x3F9D];
	s0 =	simm.s32 @p0 $0x1  }
0x13: {  	[smem:$0x3FB8] =	sst s0;
	s0 =	simm.s32 @!p1 $0x0  }
0x14: {  	s2 =	sld [smem:$0x3F9C];
	s0 =	simm.s32 @p1 $0x1  }
0x15: {  	[smem:$0x3FB9] =	sst s0;
	s0 =	simm.s32 @!p2 $0x0  }
0x16: {  	s3 =	sld [smem:$0x3FDB];
	s0 =	simm.s32 @p2 $0x1  }
0x17: {  	s4 =	simm.s32 $0x1BF5;
	[smem:$0x3FBB] =	sst s0  }
0x18: {  	s0 =	sld [smem:$0x3F9E];
	_ =	swait.ge [sflag:s4], $0x0  }
0x19: {  	s7 =	sld [smem:$0x3F9F]  }
0x1a: {  	s8 =	sadd.s32 $0xFFFFE003, lr  }
0x1b: {  	s9 =	sadd.s32 $0xFFFFFEF7, lr;
	s5 =	simm.s32 $0xFFFFFFFF;
	p2 =	slt.u32 s8, $0xFFFFF086  }
0x1c: {  	p1 =	slt.u32 s9, $0xF7A;
	s5 =	simm.s32 @!p2 $0x0  }
0x1d: {  	s5 =	simm.s32 @p1 $0x1;
	p0 =	seq.s32 s7, s2  }
0x1e: {  	s7 =	smul.u32 @!p0 $0xF7A, s2;
	p2 =	seq.s32 @!p0 s5, $0x0  }
0x1f: {  	s9 =	smul.u32 $0xF7A, s1;
	s8 =	simm.s32 @!p0 $0x1BF5;
	p2 =	por !p2, p0  }
0x20: {  	[sflag:s8] =	ssyncset.s32 @!p0 $0xFFFFF086;
	s6 =	sadd.s32 @!p0 s3, s7;
	s7 =	simm.s32 @!p0 $0x108  }
0x21: {  	s3 =	sadd.s32 s3, s9;
	s6 =	sadd.s32 @!p0 $0x88, s6;
	s7 =	simm.s32 @p2 $0x1082  }
0x22: {  	[simem:s7], [sflag:s8] =	dma.local @!p0 [hbm:s6], $0xF7A  }
0x23: {  	s9 =	sor.u32 $0xD0000000, s2;
	s6 =	simm.s32 $0x108;
	_ =	swait.ge @!p0 [sflag:s8], $0x0  }
0x24: {  	s3 =	sadd.s32 $0x88, s3;
	s6 =	simm.s32 @!p1 $0x1082;
	[sflag:s4] =	ssyncset.s32 $0xFFFFF086  }
0x25: {  	[simem:s6], [sflag:s4] =	dma.local [hbm:s3], $0xF7A  }
0x26: {  	[smem:$0x3F9F] =	sst s1;
	(tag) =	ssettag s2;
	_ =	strace s9  }
0x27: {  	s1 =	sld [smem:$0x3FAF]  }
0x28: {  	s2 =	sld [smem:$0x3FB0]  }
0x29: {  	s4 =	sld [smem:$0x3FB2]  }
0x2a: {  	p0 =	seq.s32 s5, $0x0;
	s5 =	sld [smem:$0x3FB3]  }
0x2b: {  	s6 =	sld [smem:$0x3FB4]  }
0x2c: {  	s7 =	sld [smem:$0x3FB5]  }
0x2d: {  	s3 =	simm.s32 $0x108;
	s8 =	sld [smem:$0x3FB6]  }
0x2e: {  	s3 =	simm.s32 @!p0 $0x1082;
	s9 =	sld [smem:$0x3FB7]  }
0x2f: {  	lr =	sadd.s32 s0, s3;
	s0 =	sld [smem:$0x3FAE]  }
0x30: {  	s3 =	sld [smem:$0x3FB1]  }
0x31: {  	[smem:$0x3FBA] =	sst s10  }
0x32: {  	s10 =	sld [smem:$0x3FB8];
	_ =	sdelay $0x3  }
0x33: {  	p0 =	seq.s32 s10, $0x1;
	s10 =	sld [smem:$0x3FBA];
	_ =	sdelay $0x3  }
0x34: {  	[smem:$0x3FBA] =	sst s10  }
0x35: {  	s10 =	sld [smem:$0x3FB9];
	_ =	sdelay $0x3  }
0x36: {  	p1 =	seq.s32 s10, $0x1;
	s10 =	sld [smem:$0x3FBA];
	_ =	sdelay $0x3  }
0x37: {  	[smem:$0x3FBA] =	sst s10  }
0x38: {  	s10 =	sld [smem:$0x3FBB]  }
0x39: {  	_ = 	snop;
	(pc) =	sbr.ind lr, $3  }
0x3a: {  	_ = 	snop  }
0x3b: {  	_ = 	snop  }
0x3c: {  	p2 =	seq.s32 s10, $0x1;
	s10 =	sld [smem:$0x3FBA]  }
0x3d: {  	_ =	shalt  }
0x3e: {  	_ =	shalt  }
0x3f: {  	_ =	shalt  }
0x40: {  	_ =	shalt  }
0x41: {  	_ =	shalt  }
0x42: {  	_ =	shalt  }
0x43: {  	_ =	shalt  }
0x44: {  	_ =	shalt  }
0x45: {  	_ =	shalt  }
0x46: {  	_ =	shalt  }
0x47: {  	_ =	shalt  }
0x48: {  	_ =	shalt  }
0x49: {  	_ =	shalt  }
0x4a: {  	_ =	shalt  }
0x4b: {  	_ =	shalt  }
0x4c: {  	_ =	shalt  }
0x4d: {  	_ =	shalt  }
0x4e: {  	_ =	shalt  }
0x4f: {  	_ =	shalt  }
0x50: {  	_ =	shalt  }
0x51: {  	_ =	shalt  }
0x52: {  	_ =	shalt  }
0x53: {  	_ =	shalt  }
0x54: {  	_ =	shalt  }
0x55: {  	_ =	shalt  }
0x56: {  	_ =	shalt  }
0x57: {  	_ =	shalt  }
0x58: {  	_ =	shalt  }
0x59: {  	_ =	shalt  }
0x5a: {  	_ =	shalt  }
0x5b: {  	_ =	shalt  }
0x5c: {  	_ =	shalt  }
0x5d: {  	_ =	shalt  }
0x5e: {  	_ =	shalt  }
0x5f: {  	_ =	shalt  }
0x60: {  	_ =	shalt  }
0x61: {  	_ =	shalt  }
0x62: {  	_ =	shalt  }
0x63: {  	_ =	shalt  }
0x64: {  	_ =	shalt  }
0x65: {  	_ =	shalt  }
0x66: {  	_ =	shalt  }
0x67: {  	_ =	shalt  }
0x68: {  	_ =	shalt  }
0x69: {  	_ =	shalt  }
0x6a: {  	_ =	shalt  }
0x6b: {  	_ =	shalt  }
0x6c: {  	_ =	shalt  }
0x6d: {  	_ =	shalt  }
0x6e: {  	_ =	shalt  }
0x6f: {  	_ =	shalt  }
0x70: {  	_ =	shalt  }
0x71: {  	_ =	shalt  }
0x72: {  	_ =	shalt  }
0x73: {  	_ =	shalt  }
0x74: {  	_ =	shalt  }
0x75: {  	_ =	shalt  }
0x76: {  	_ =	shalt  }
0x77: {  	_ =	shalt  }
0x78: {  	_ =	shalt  }
0x79: {  	_ =	shalt  }
0x7a: {  	_ =	shalt  }
0x7b: {  	_ =	shalt  }
0x7c: {  	_ =	shalt  }
0x7d: {  	_ =	shalt  }
0x7e: {  	_ =	shalt  }
0x7f: {  	_ =	shalt  }
0x80: {  	_ =	shalt  }
0x81: {  	_ =	shalt  }
0x82: {  	_ =	shalt  }
0x83: {  	_ =	shalt  }
0x84: {  	_ =	shalt  }
0x85: {  	_ =	shalt  }
0x86: {  	_ =	shalt  }
0x87: {  	_ =	shalt  }
.Lfunc_end0:
.L_simem_size_0:
called_computation_lowered:
.L_overlay_start_0:
0x88: {  	s2 =	sld [smem:$0x3FD9]  }
0x89: {  	s3 =	sld [smem:$0x3FFE];
	_ =	sdelay $0x1  }
0x8a: {  	s1 =	srdreg.scid  }
0x8b: {  	s0 =	sand.u32 $0x1, s1  }
0x8c: {  	s18 =	sshll.u32 s0, $0xA;
	s2 =	sadd.s32 s3, s2  }
0x8d: {  	s2 =	sadd.s32 s2, s18  }
0x8e: {  	[smem:$0x3FC6] =	sst s2  }
0x8f: {  	_ = 	snop  }
0x90: {  	s2 =	sld [smem:$0x3FC9]  }
0x91: {  	s19 =	sld [smem:$0x3FC8]  }
0x92: {  	s4 =	sld [smem:$0x3FD0];
	(tm) =	ssettm $0x1  }
0x93: {  	s5 =	sld [smem:$0x3FFB];
	_ =	sdelay $0x3  }
0x94: {  	_ =	strace s5  }
0x95: {  	s5 =	sld [smem:$0x3FFC];
	_ =	sdelay $0x3  }
0x96: {  	_ =	strace s5  }
0x97: {  	s5 =	sld [smem:$0x3FFD];
	_ =	sdelay $0x3  }
0x98: {  	_ =	strace s5  }
0x99: {  	_ =	strace $0x8FFFFFFF  }
0x9a: {  	s20 =	sld [smem:$0x3FDB];
	_ =	sdelay $0x1  }
0x9b: {  	s6 =	simm.s32 $_scs_section_size  }
0x9c: {  	s7 =	simm.s32 $_size__tile_overlayer_lowered;
	s8 =	simm.s32 $_tile_overlayer_lowered  }
0x9d: {  	s23 =	simm.s32 $0x1BFF;
	s22 =	sshll.u32 s8, $0x1;
	s5 =	sadd.s32 s6, s20  }
0x9e: {  	s9 =	simm.s32 $0x0;
	s21 =	sshll.u32 s7, $0x1;
	s7 =	sadd.s32 s22, s5  }
0x9f: {  	[timem:s9], [sflag:s23] =	dma.local [hbm:s7], s21  }
0xa0: {  	_ =	swait.ge [sflag:s23], s21  }
0xa1: {  	s6 =	ssub.s32 $0x0, s21;
	[sflag:s23] =	ssyncset.done $0x0  }
0xa2: {  	[sflag:s23] =	ssyncadd.s32 s6;
	_ =	sdelay $0x1  }
0xa3: {  	s24 =	simm.s32 $0x1B8B  }
0xa4: {  	_ =	swait.ge [sflag:s24], $0x1  }
0xa5: {  	[sflag:s24] =	ssyncset.done $0x0  }
0xa6: {  	s25 =	simm.s32 $0x1B8E;
	[sflag:s24] =	ssyncadd.s32 $0xFFFFFFFF  }
0xa7: {  	s26 =	simm.s32 $execute0_lowered;
	[smem:$0x3FD2] =	sst s25  }
0xa8: {  	s6 =	sshll.u32 s26, $0x1;
	_ =	strace $0x80000046;
	[dreg:$0x1] =	wrdreg $0xFFFFFFFF  }
0xa9: {  	s28 =	simm.s32 $_size_execute0_lowered;
	s5 =	sadd.s32 s5, s6;
	[dreg:$0x0] =	wrdreg $0x0  }
0xaa: {  	s6 =	sshll.u32 s28, $0x1;
	[dreg:$0x2] =	wrdreg s5  }
0xab: {  	[dreg:$0x3] =	wrdreg s6  }
0xac: {  	[dreg:$0x4] =	wrdreg $0xC0  }
0xad: {  	_ =	task [dreg:s9], $0x5FFFF  }
0xae: {  	[dreg:$0x1] =	wrdreg $0xFFFFFFFF  }
0xaf: {  	[dreg:$0x0] =	wrdreg $0x60  }
0xb0: {  	[dreg:$0x2] =	wrdreg s2  }
0xb1: {  	[dreg:$0x3] =	wrdreg s19  }
0xb2: {  	[dreg:$0x4] =	wrdreg s4  }
0xb3: {  	[dreg:$0x5] =	wrdreg $0x9  }
0xb4: {  	_ =	task.clear_ibuf [dreg:s9], $0x6FFFF;
	_ =	strace $0x90000046  }
0xb5: {  	s29 =	simm.s32 $0x9;
	_ =	strace $0x80000048  }
0xb6: {  	_ =	swait.ge [sflag:s29], $0x1  }
0xb7: {  	[sflag:s29] =	ssyncadd.s32 $0xFFFFFFFF  }
0xb8: {  	_ =	strace $0x90000048  }
0xb9: {  	_ =	sfence  }
0xba: {  	s30 =	sld [smem:$0x0];
	_ =	sdelay $0x2  }
0xbb: {  	s31 =	sshll.u32 s1, $0xD;
	s1 =	sshrl.u32 s1, $0x2  }
0xbc: {  	s3 =	sand.u32 $0x4000, s31;
	s1 =	sadd.s32 s1, s30  }
0xbd: {  	s0 =	sor.u32 s3, s0;
	s1 =	sshll.u32 s1, $0x11  }
0xbe: {  	s0 =	sor.u32 s1, s0  }
0xbf: {  	s0 =	sadd.s32 $0x8F2B, s0  }
0xc0: {  	[sflag:s0] =	ssyncadd.remote.s32 $0x1  }
0xc1: {  	_ =	sfence.sel $0xFFFF  }
0xc2: {  	[dreg:$0x0] =	wrdreg $0xFFFFFFFF;
	(pc) =	sbr.abs _section_cstart, $3  }
0xc3: {  	[dreg:$0x1] =	wrdreg $0xFFFFFFFF  }
0xc4: {  	_ =	task.clear_ibuf [dreg:s9], $0x2FFFF;
	_ =	strace $0x9FFFFFFF  }
0xc5: {  	(tm) =	ssettm $0x7FFFFFFF  }
tec
execute0_lowered:
.L_overlay_start_1:
0x0: {  	(tag) =	ssettag $0x1  }
0x1: {  	s4 =	rddreg [dreg:$0x0]  }
0x2: {  	s2 =	rddreg [dreg:$0x1];
	s0 =	srdreg.scid  }
0x3: {  	s8 =	rddreg [dreg:$0x2];
	s1 =	stileid.u32;
	s3 =	simm.s32 $0x0  }
0x4: {  	s11 =	simm.s32 $0x80;
	s12 =	simm.s32 $0x880;
	s13 =	simm.s32 $0x1080  }
0x5: {  	s14 =	simm.s32 $0x1880;
	s15 =	simm.s32 $0x2080;
	s16 =	simm.s32 $0x2880  }
0x6: {  	s17 =	simm.s32 $0x1;
	s18 =	simm.s32 $0x2;
	s5 =	sand.u32 $0x1, s0  }
0x7: {  	s19 =	simm.s32 $0x3;
	s6 =	sshll.u32 s1, $0x2;
	s7 =	sshll.u32 s5, $0x1  }
0x8: {  	s0 =	rddreg [dreg:$0x3];
	s5 =	ssub.s32 $0x2, s5;
	s6 =	sor.u32 s7, s6  }
0x9: {  	[smem:$0x7FF] =	sst s3;
	s30 =	sshrl.u32 s5, $0x1;
	s9 =	smul.u32 $0x1800, s6  }
0xa: {  	_ =	strace $0x80000047;
	s10 =	ssub.s32 s5, s30;
	s31 =	smul.u32 $0x300, s6  }
0xb: {  	v0 =	vlaneseq.u32;
	s4 =	sadd.s32 s4, s6;
	s5 =	sadd.s32 $0x100, s2;
	s9 =	sshrl.u32 s9, $0x3  }
0xc: {  	v1 =	vshrl.u32 v0, $0x3;
	s6 =	sadd.s32 $0x200, s2;
	s7 =	sadd.s32 s8, s31;
	s8 =	sadd.s32 s8, s9  }
0xd: {  	vm0 =	vmmov $0xffff;
	v0 =	vand.u32 $0x7, v0;
	v1 =	vmul.u32 $0x8, v1;
	s9 =	smax.u32 s10, $0x1;
	s10 =	simm.s32 $0x4;
	s8 =	sadd.s32 $0x300, s8  }
.LBB2_1:
0xe: {  	[tilespmem:s3], [sflag:$0x4] =	stream.linear.gather [hbm4b:s4+s3], $0x10, $0x38;
	[tilespmem:$0x3080] =	vst v63  }
0xf: {  	_ =	swait.ge [sflag:s10], $0x10  }
0x10: {  	[sflag:s10] =	ssyncset.done $0x0  }
0x11: {  	[sflag:s10] =	ssyncadd.s32 $0xFFFFFFF0  }
0x12: {  	v2 =	vld.msk [tilespmem:$0x0], $0xff;
	_ =	sdelay $0x4  }
0x13: {  	v3 =	vshrl.u32 v2, $0x3  }
0x14: {  	v3 =	vmul.u32 $0x30, v3  }
0x15: {  	v2 =	vand.u32 $0x7, v2  }
0x16: {  	v2 =	vor.u32 v2, v3  }
0x17: {  	v2 =	vperm.xlane v2, v0;
	_ =	sdelay $0x1  }
0x18: {  	v2 =	vadd.s32 v1, v2;
	_ =	sdelay $0x4  }
0x19: {  	[tilespmem:s11], [sflag:$0x1] =	stream.indirect_vreg.gather [hbm4b:s2+s3], $0x80, v2, vm0, $0xb8;
	[tilespmem:$0x3080] =	vst v63  }
0x1a: {  	_ = 	snop  }
0x1b: {  	[tilespmem:s12], [sflag:$0x1] =	stream.indirect_vreg.gather [hbm4b:s5+s3], $0x80, v2, vm0, $0xb8;
	[tilespmem:$0x3080] =	vst v63  }
0x1c: {  	_ = 	snop  }
0x1d: {  	[tilespmem:s13], [sflag:$0x1] =	stream.indirect_vreg.gather [hbm4b:s6+s3], $0x80, v2, vm0, $0xb8;
	[tilespmem:$0x3080] =	vst v63  }
0x1e: {  	v2 =	vld.msk [tilespmem:$0x8], $0xff;
	_ =	sdelay $0x4  }
0x1f: {  	v3 =	vshrl.u32 v2, $0x3  }
0x20: {  	v3 =	vmul.u32 $0x30, v3  }
0x21: {  	v2 =	vand.u32 $0x7, v2  }
0x22: {  	v2 =	vor.u32 v2, v3  }
0x23: {  	v2 =	vperm.xlane v2, v0;
	_ =	sdelay $0x1  }
0x24: {  	v2 =	vadd.s32 v1, v2;
	_ =	sdelay $0x4  }
0x25: {  	[tilespmem:s14], [sflag:$0x2] =	stream.indirect_vreg.gather [hbm4b:s2+s3], $0x80, v2, vm0, $0xb8;
	[tilespmem:$0x3080] =	vst v63  }
0x26: {  	_ = 	snop  }
0x27: {  	[tilespmem:s15], [sflag:$0x2] =	stream.indirect_vreg.gather [hbm4b:s5+s3], $0x80, v2, vm0, $0xb8;
	[tilespmem:$0x3080] =	vst v63  }
0x28: {  	_ = 	snop  }
0x29: {  	[tilespmem:s16], [sflag:$0x2] =	stream.indirect_vreg.gather [hbm4b:s6+s3], $0x80, v2, vm0, $0xb8;
	[tilespmem:$0x3080] =	vst v63  }
0x2a: {  	_ =	swait.ge [sflag:s17], $0x1800  }
0x2b: {  	[sflag:s17] =	ssyncset.done $0x0  }
0x2c: {  	[sflag:s17] =	ssyncadd.s32 $0xFFFFE800  }
0x2d: {  	[hbm4b:s7+s3] =	stream.linear.scatter [tilespmem:s11], [sflag:$0x3], $0x1800, $0x38;
	[tilespmem:$0x3080] =	vst v63  }
0x2e: {  	_ =	swait.ge [sflag:s18], $0x1800  }
0x2f: {  	[sflag:s18] =	ssyncset.done $0x0  }
0x30: {  	[sflag:s18] =	ssyncadd.s32 $0xFFFFE800  }
0x31: {  	[hbm4b:s8+s3] =	stream.linear.scatter [tilespmem:s14], [sflag:$0x4], $0x1800, $0x38;
	[tilespmem:$0x3080] =	vst v63  }
0x32: {  	p0 =	sne.s32 s9, $0x1;
	_ =	swait.ge [sflag:s10], $0x1800  }
.Ltmp0:
0x33: {  	[sflag:s10] =	ssyncset.done $0x0;
	(pc) =	sbr.rel @p0 .LBB2_1-.Ltmp0, $4  }
0x34: {  	[sflag:s10] =	ssyncadd.s32 $0xFFFFE800  }
0x35: {  	_ =	swait.ge [sflag:s19], $0x1800  }
0x36: {  	[sflag:s19] =	ssyncset.done $0x0  }
0x37: {  	s9 =	sadd.s32 $0xFFFFFFFF, s9;
	[sflag:s19] =	ssyncadd.s32 $0xFFFFE800  }
0x38: {  	_ =	sfence.sel $0x180000  }
0x39: {  	[bflag:$0x0] =	sbarrier.arrive $0xFFFF  }
0x3a: {  	p0 =	sne.s32 s1, $0x0;
	_ =	strace $0x90000047  }
0x3b: {  	s0 =	sadd.s32 @!p0 $0x100000, s0;
	[bflag:$0x2] =	sbarrier.arrive $0xFFFF  }
0x3c: {  	[sflag:s0] =	ssyncadd.tile.s32 @!p0 $0x1;
	_ =	shalt  }
.Lfunc_end2:
_tile_overlayer_lowered:
.L_overlay_start_2:
0x3d: {  	(tag) =	ssettag $0x2  }
0x3e: {  	s0 =	rddreg [dreg:$0x0];
	s2 =	stileid.u32  }
0x3f: {  	s1 =	rddreg [dreg:$0x1];
	p0 =	sne.s32 s2, $0x0  }
0x40: {  	s3 =	rddreg [dreg:$0x2];
	[bflag:$0x3] =	sbarrier.arrive $0xFFFF;
	s2 =	simm.s32 @!p0 $0x1C04  }
0x41: {  	[timem:s3], [sflag:s2] =	dma.local @!p0 [hbm:s0], s1  }
0x42: {  	s0 =	simm.s32 @!p0 $0x4  }
0x43: {  	_ =	swait.ge @!p0 [sflag:s0], s1  }
0x44: {  	s1 =	ssub.s32 @!p0 $0x0, s1;
	[sflag:s0] =	ssyncset.done @!p0 $0x0  }
0x45: {  	[sflag:s0] =	ssyncadd.s32 @!p0 s1  }
0x46: {  	[bflag:$0x3] =	sbarrier.arrive $0xFFFF  }
0x47: {  	_ =	shalt  }

</sc_bundles>
